<compile_context>
chip_gen: v7x
topology: tpu7x:2x2x1
jax: 0.10.2.dev20260603
libtpu: 0.0.44.dev20260713+nightly
codegen_flags: <defaults>
</compile_context>

<pallas_src>
import functools

import jax
import jax.numpy as jnp
from jax import lax
from jax.experimental import pallas as pl
from jax.experimental.pallas import tpu as pltpu
from jax.experimental.pallas import tpu_sc as plsc

DIM = 128
CHUNK = 128
NC, NS = 2, 16
NW = NC * NS


@functools.lru_cache(maxsize=None)
def _gather_fn(n_per_w: int):
    mesh = plsc.VectorSubcoreMesh(core_axis_name="c", subcore_axis_name="s")
    NBUF = 5
    LOOK = 3

    @functools.partial(
        pl.kernel,
        mesh=mesh,
        out_type=jax.ShapeDtypeStruct((NW * n_per_w * CHUNK, DIM), jnp.float32),
        compiler_params=pltpu.CompilerParams(use_tc_tiling_on_sc=True),
        scratch_types=[pltpu.VMEM((n_per_w * CHUNK,), jnp.int32)]
        + [pltpu.VMEM((CHUNK, DIM), jnp.float32)] * NBUF
        + [pltpu.SemaphoreType.DMA] * (2 * NBUF),
    )
    def k(idx_hbm, table_hbm, out_hbm, idx_v, *bufs):
        rows = bufs[:NBUF]
        gs = bufs[NBUF:2 * NBUF]
        ws = bufs[2 * NBUF:]
        wid = lax.axis_index("s") * NC + lax.axis_index("c")
        cbase = wid * n_per_w
        pltpu.sync_copy(idx_hbm.at[pl.ds(cbase * CHUNK, n_per_w * CHUNK)], idx_v)

        def gather_start(j, b):
            pltpu.async_copy(
                table_hbm.at[idx_v.at[pl.ds(j * CHUNK, CHUNK)]], rows[b], gs[b])

        def gather_wait(j, b):
            pltpu.make_async_copy(
                table_hbm.at[idx_v.at[pl.ds(j * CHUNK, CHUNK)]], rows[b],
                gs[b]).wait()

        def write_start(j, b):
            pltpu.async_copy(
                rows[b], out_hbm.at[pl.ds((cbase + j) * CHUNK, CHUNK)], ws[b])

        def write_wait(j, b):
            pltpu.make_async_copy(
                rows[b], out_hbm.at[pl.ds((cbase + j) * CHUNK, CHUNK)],
                ws[b]).wait()

        for b in range(LOOK):
            gather_start(b, b)

        def body(g, carry):
            for b in range(NBUF):
                j = g * NBUF + b
                bp = (b + LOOK) % NBUF
                gather_wait(j, b)
                write_start(j, b)

                @pl.when(j + LOOK < n_per_w)
                def _():
                    @pl.when(j + LOOK >= NBUF)
                    def _w():
                        write_wait(j + LOOK - NBUF, bp)

                    gather_start(j + LOOK, bp)

            return carry

        lax.fori_loop(0, n_per_w // NBUF, body, 0)

        for b in range(NBUF):
            write_wait(n_per_w - NBUF + b, b)

    return k


def kernel(input, table):
    batch, hist = input.shape
    flat_t = jnp.transpose(input).reshape(-1).astype(jnp.int32)
    n_chunks = flat_t.shape[0] // CHUNK
    out = _gather_fn(n_chunks // NW)(flat_t, table)
    out = out.reshape(hist, batch, DIM)
    return jnp.transpose(out, (1, 0, 2))

# --- scband reference (transcript-rebuilt; emitter-appended) ---
"""Pipeline reference for scband-overwriteable-embedding-3358664426388 (READ-ONLY COPY).

The authoritative reference and input builder live on the scoring server;
editing this copy changes nothing except your own understanding.
"""

import jax, jax.numpy as jnp
import numpy as np

NUM_EMBEDDINGS = 100000
EMBEDDING_DIM = 128
BATCH = 16384
HIST_LEN = 50


def setup_inputs(seed: int = 0) -> dict:
    key = jax.random.key(seed)
    k_idx, k_tab = jax.random.split(key)
    indices = jax.random.randint(k_idx, (BATCH, HIST_LEN), 0, NUM_EMBEDDINGS, dtype=jnp.int64 if jax.config.jax_enable_x64 else jnp.int32)
    table = jax.random.normal(k_tab, (NUM_EMBEDDINGS, EMBEDDING_DIM), dtype=jnp.float32)
    return {"input": indices, "table": table}


def reference(input, table):
    # OverwriteableEmbedding.forward: embds = self.embedding(input)
    embds = jnp.take(table, input, axis=0)
    # overwrite_fct is None -> identity
    return embds

if __name__ == "__main__":
    import jax
    _d = setup_inputs()
    print(jax.jit(kernel)(*tuple(_d.values())))

</pallas_src>

<mosaic_0001>
#map = affine_map<(d0, d1) -> (0)>
#map1 = affine_map<(d0, d1) -> (0, 0)>
module attributes {stable_mosaic.version = 14 : i64} {
  func.func @k(%arg0: i32, %arg1: i32, %arg2: memref<819200xi32, #tpu.memory_space<hbm>>, %arg3: memref<100000x128xf32, #tpu.memory_space<hbm>>, %arg4: memref<819200x128xf32, #tpu.memory_space<hbm>>, %arg5: memref<25600xi32, #tpu.memory_space<vmem>>, %arg6: memref<128x128xf32, #tpu.memory_space<vmem>>, %arg7: memref<128x128xf32, #tpu.memory_space<vmem>>, %arg8: memref<128x128xf32, #tpu.memory_space<vmem>>, %arg9: memref<128x128xf32, #tpu.memory_space<vmem>>, %arg10: memref<128x128xf32, #tpu.memory_space<vmem>>, %arg11: memref<!tpu.dma_semaphore, #tpu.memory_space<semaphore_mem>>, %arg12: memref<!tpu.dma_semaphore, #tpu.memory_space<semaphore_mem>>, %arg13: memref<!tpu.dma_semaphore, #tpu.memory_space<semaphore_mem>>, %arg14: memref<!tpu.dma_semaphore, #tpu.memory_space<semaphore_mem>>, %arg15: memref<!tpu.dma_semaphore, #tpu.memory_space<semaphore_mem>>, %arg16: memref<!tpu.dma_semaphore, #tpu.memory_space<semaphore_mem>>, %arg17: memref<!tpu.dma_semaphore, #tpu.memory_space<semaphore_mem>>, %arg18: memref<!tpu.dma_semaphore, #tpu.memory_space<semaphore_mem>>, %arg19: memref<!tpu.dma_semaphore, #tpu.memory_space<semaphore_mem>>, %arg20: memref<!tpu.dma_semaphore, #tpu.memory_space<semaphore_mem>>) attributes {dimension_semantics = [#tpu.dimension_semantics<core_parallel>, #tpu.dimension_semantics<subcore_parallel>], iteration_bounds = array<i64: 2, 16>, scalar_prefetch = 0 : i64, scratch_operands = 16 : i64, tpu.core_type = #tpu.core_type<sc_vector_subcore>, window_params = [{transform_indices = #map}, {transform_indices = #map1}, {transform_indices = #map1}]} {
    %mul3A = arith.constant 2 : i32
    %mul3A_0 = arith.muli %arg1, %mul3A : i32
    %add3A = arith.addi %mul3A_0, %arg0 : i32
    %mul3A_1 = arith.constant 200 : i32
    %mul3A_2 = arith.muli %add3A, %mul3A_1 : i32
    %mul3A_3 = arith.constant 128 : i32
    %mul3A_4 = arith.muli %mul3A_2, %mul3A_3 : i32
    "tpu.region"() ({
      %run_scoped3A = tpu.sem_alloc : memref<!tpu.dma_semaphore, #tpu.memory_space<semaphore_mem>>
      %dma_start3A_63 = tpu.memref_slice %arg2[%mul3A_4] : memref<819200xi32, #tpu.memory_space<hbm>> -> memref<25600xi32, #tpu.memory_space<hbm>>
      %dma_start3A_64 = tpu.memref_slice %arg2[%mul3A_4] : memref<819200xi32, #tpu.memory_space<hbm>> -> memref<25600xi32, #tpu.memory_space<hbm>>
      tpu.enqueue_dma source(%dma_start3A_64 : memref<25600xi32, #tpu.memory_space<hbm>>) target(%arg5 : memref<25600xi32, #tpu.memory_space<vmem>>) target_semaphore(%run_scoped3A : memref<!tpu.dma_semaphore, #tpu.memory_space<semaphore_mem>>)
      %dma_wait3A_65 = tpu.memref_slice %arg2[%mul3A_4] : memref<819200xi32, #tpu.memory_space<hbm>> -> memref<25600xi32, #tpu.memory_space<hbm>>
      %dma_wait3A_66 = tpu.memref_slice %arg2[%mul3A_4] : memref<819200xi32, #tpu.memory_space<hbm>> -> memref<25600xi32, #tpu.memory_space<hbm>>
      tpu.wait_dma2 semaphore(%run_scoped3A : memref<!tpu.dma_semaphore, #tpu.memory_space<semaphore_mem>>) src(%dma_wait3A_66 : memref<25600xi32, #tpu.memory_space<hbm>>) dst(%arg5 : memref<25600xi32, #tpu.memory_space<vmem>>)
      tpu.yield
    }) : () -> ()
    %dma_start3A = arith.constant 0 : i32
    %dma_start3A_5 = tpu.memref_slice %arg5[%dma_start3A] : memref<25600xi32, #tpu.memory_space<vmem>> -> memref<128xi32, #tpu.memory_space<vmem>>
    %dma_start3A_6 = arith.constant 0 : i32
    %dma_start3A_7 = arith.constant 0 : i32
    %dma_start3A_8 = tpu.memref_slice %arg3[%dma_start3A_6, %dma_start3A_7] : memref<100000x128xf32, #tpu.memory_space<hbm>> -> memref<100000x128xf32, #tpu.memory_space<hbm>>
    tpu.enqueue_indirect_dma source(%dma_start3A_8 : memref<100000x128xf32, #tpu.memory_space<hbm>>) target(%arg6 : memref<128x128xf32, #tpu.memory_space<vmem>>) offsets(%dma_start3A_5 : memref<128xi32, #tpu.memory_space<vmem>>) semaphore(%arg11 : memref<!tpu.dma_semaphore, #tpu.memory_space<semaphore_mem>>)
    %dma_start3A_9 = arith.constant 128 : i32
    %dma_start3A_10 = tpu.memref_slice %arg5[%dma_start3A_9] : memref<25600xi32, #tpu.memory_space<vmem>> -> memref<128xi32, #tpu.memory_space<vmem>>
    %dma_start3A_11 = arith.constant 0 : i32
    %dma_start3A_12 = arith.constant 0 : i32
    %dma_start3A_13 = tpu.memref_slice %arg3[%dma_start3A_11, %dma_start3A_12] : memref<100000x128xf32, #tpu.memory_space<hbm>> -> memref<100000x128xf32, #tpu.memory_space<hbm>>
    tpu.enqueue_indirect_dma source(%dma_start3A_13 : memref<100000x128xf32, #tpu.memory_space<hbm>>) target(%arg7 : memref<128x128xf32, #tpu.memory_space<vmem>>) offsets(%dma_start3A_10 : memref<128xi32, #tpu.memory_space<vmem>>) semaphore(%arg12 : memref<!tpu.dma_semaphore, #tpu.memory_space<semaphore_mem>>)
    %dma_start3A_14 = arith.constant 256 : i32
    %dma_start3A_15 = tpu.memref_slice %arg5[%dma_start3A_14] : memref<25600xi32, #tpu.memory_space<vmem>> -> memref<128xi32, #tpu.memory_space<vmem>>
    %dma_start3A_16 = arith.constant 0 : i32
    %dma_start3A_17 = arith.constant 0 : i32
    %dma_start3A_18 = tpu.memref_slice %arg3[%dma_start3A_16, %dma_start3A_17] : memref<100000x128xf32, #tpu.memory_space<hbm>> -> memref<100000x128xf32, #tpu.memory_space<hbm>>
    tpu.enqueue_indirect_dma source(%dma_start3A_18 : memref<100000x128xf32, #tpu.memory_space<hbm>>) target(%arg8 : memref<128x128xf32, #tpu.memory_space<vmem>>) offsets(%dma_start3A_15 : memref<128xi32, #tpu.memory_space<vmem>>) semaphore(%arg13 : memref<!tpu.dma_semaphore, #tpu.memory_space<semaphore_mem>>)
    %scan3A = arith.constant 0 : i32
    %scan3A_19 = arith.constant 0 : i32
    %scan3A_20 = arith.constant 40 : i32
    %scan3A_21 = arith.addi %scan3A_19, %scan3A_20 : i32
    %scan3A_22 = arith.constant 1 : i32
    scf.for %scan3A_63 = %scan3A_19 to %scan3A_21 step %scan3A_22  : i32 {
      %mul3A_64 = arith.constant 5 : i32
      %mul3A_65 = arith.muli %scan3A_63, %mul3A_64 : i32
      %add3A_66 = arith.constant 0 : i32
      %add3A_67 = arith.addi %mul3A_65, %add3A_66 : i32
      %mul3A_68 = arith.constant 128 : i32
      %mul3A_69 = arith.muli %add3A_67, %mul3A_68 : i32
      %dma_wait3A_70 = tpu.memref_slice %arg5[%mul3A_69] : memref<25600xi32, #tpu.memory_space<vmem>> -> memref<128xi32, #tpu.memory_space<vmem>>
      %dma_wait3A_71 = arith.constant 0 : i32
      %dma_wait3A_72 = arith.constant 0 : i32
      %dma_wait3A_73 = tpu.memref_slice %arg3[%dma_wait3A_71, %dma_wait3A_72] : memref<100000x128xf32, #tpu.memory_space<hbm>> -> memref<100000x128xf32, #tpu.memory_space<hbm>>
      tpu.wait_indirect_dma semaphore(%arg11 : memref<!tpu.dma_semaphore, #tpu.memory_space<semaphore_mem>>) src(%dma_wait3A_73 : memref<100000x128xf32, #tpu.memory_space<hbm>>) dst(%arg6 : memref<128x128xf32, #tpu.memory_space<vmem>>)
      %add3A_74 = arith.addi %mul3A_2, %add3A_67 : i32
      %mul3A_75 = arith.constant 128 : i32
      %mul3A_76 = arith.muli %add3A_74, %mul3A_75 : i32
      %dma_start3A_77 = arith.constant 0 : i32
      %dma_start3A_78 = tpu.memref_slice %arg4[%mul3A_76, %dma_start3A_77] : memref<819200x128xf32, #tpu.memory_space<hbm>> -> memref<128x128xf32, #tpu.memory_space<hbm>>
      %dma_start3A_79 = arith.constant 0 : i32
      %dma_start3A_80 = tpu.memref_slice %arg4[%mul3A_76, %dma_start3A_79] : memref<819200x128xf32, #tpu.memory_space<hbm>> -> memref<128x128xf32, #tpu.memory_space<hbm>>
      tpu.enqueue_dma source(%arg6 : memref<128x128xf32, #tpu.memory_space<vmem>>) target(%dma_start3A_80 : memref<128x128xf32, #tpu.memory_space<hbm>>) target_semaphore(%arg16 : memref<!tpu.dma_semaphore, #tpu.memory_space<semaphore_mem>>)
      %add3A_81 = arith.constant 3 : i32
      %add3A_82 = arith.addi %add3A_67, %add3A_81 : i32
      %lt3A = arith.constant 200 : i32
      %lt3A_83 = arith.cmpi slt, %add3A_82, %lt3A : i32
      %convert_element_type3A = arith.extui %lt3A_83 : i1 to i32
      %cond3A = arith.constant 0 : i32
      %cond3A_84 = arith.cmpi ne, %convert_element_type3A, %cond3A : i32
      scf.if %cond3A_84 {
        %add3A_181 = arith.constant 3 : i32
        %add3A_182 = arith.addi %add3A_67, %add3A_181 : i32
        %ge3A = arith.constant 5 : i32
        %ge3A_183 = arith.cmpi sge, %add3A_182, %ge3A : i32
        %convert_element_type3A_184 = arith.extui %ge3A_183 : i1 to i32
        %cond3A_185 = arith.constant 0 : i32
        %cond3A_186 = arith.cmpi ne, %convert_element_type3A_184, %cond3A_185 : i32
        scf.if %cond3A_186 {
          %add3A_195 = arith.constant 3 : i32
          %add3A_196 = arith.addi %add3A_67, %add3A_195 : i32
          %sub3A = arith.constant 5 : i32
          %sub3A_197 = arith.subi %add3A_196, %sub3A : i32
          %add3A_198 = arith.addi %mul3A_2, %sub3A_197 : i32
          %mul3A_199 = arith.constant 128 : i32
          %mul3A_200 = arith.muli %add3A_198, %mul3A_199 : i32
          %dma_wait3A_201 = arith.constant 0 : i32
          %dma_wait3A_202 = tpu.memref_slice %arg4[%mul3A_200, %dma_wait3A_201] : memref<819200x128xf32, #tpu.memory_space<hbm>> -> memref<128x128xf32, #tpu.memory_space<hbm>>
          %dma_wait3A_203 = arith.constant 0 : i32
          %dma_wait3A_204 = tpu.memref_slice %arg4[%mul3A_200, %dma_wait3A_203] : memref<819200x128xf32, #tpu.memory_space<hbm>> -> memref<128x128xf32, #tpu.memory_space<hbm>>
          tpu.wait_dma2 semaphore(%arg19 : memref<!tpu.dma_semaphore, #tpu.memory_space<semaphore_mem>>) src(%arg9 : memref<128x128xf32, #tpu.memory_space<vmem>>) dst(%dma_wait3A_204 : memref<128x128xf32, #tpu.memory_space<hbm>>)
        } else {
        }
        %add3A_187 = arith.constant 3 : i32
        %add3A_188 = arith.addi %add3A_67, %add3A_187 : i32
        %mul3A_189 = arith.constant 128 : i32
        %mul3A_190 = arith.muli %add3A_188, %mul3A_189 : i32
        %dma_start3A_191 = tpu.memref_slice %arg5[%mul3A_190] : memref<25600xi32, #tpu.memory_space<vmem>> -> memref<128xi32, #tpu.memory_space<vmem>>
        %dma_start3A_192 = arith.constant 0 : i32
        %dma_start3A_193 = arith.constant 0 : i32
        %dma_start3A_194 = tpu.memref_slice %arg3[%dma_start3A_192, %dma_start3A_193] : memref<100000x128xf32, #tpu.memory_space<hbm>> -> memref<100000x128xf32, #tpu.memory_space<hbm>>
        tpu.enqueue_indirect_dma source(%dma_start3A_194 : memref<100000x128xf32, #tpu.memory_space<hbm>>) target(%arg9 : memref<128x128xf32, #tpu.memory_space<vmem>>) offsets(%dma_start3A_191 : memref<128xi32, #tpu.memory_space<vmem>>) semaphore(%arg14 : memref<!tpu.dma_semaphore, #tpu.memory_space<semaphore_mem>>)
      } else {
      }
      %mul3A_85 = arith.constant 5 : i32
      %mul3A_86 = arith.muli %scan3A_63, %mul3A_85 : i32
      %add3A_87 = arith.constant 1 : i32
      %add3A_88 = arith.addi %mul3A_86, %add3A_87 : i32
      %mul3A_89 = arith.constant 128 : i32
      %mul3A_90 = arith.muli %add3A_88, %mul3A_89 : i32
      %dma_wait3A_91 = tpu.memref_slice %arg5[%mul3A_90] : memref<25600xi32, #tpu.memory_space<vmem>> -> memref<128xi32, #tpu.memory_space<vmem>>
      %dma_wait3A_92 = arith.constant 0 : i32
      %dma_wait3A_93 = arith.constant 0 : i32
      %dma_wait3A_94 = tpu.memref_slice %arg3[%dma_wait3A_92, %dma_wait3A_93] : memref<100000x128xf32, #tpu.memory_space<hbm>> -> memref<100000x128xf32, #tpu.memory_space<hbm>>
      tpu.wait_indirect_dma semaphore(%arg12 : memref<!tpu.dma_semaphore, #tpu.memory_space<semaphore_mem>>) src(%dma_wait3A_94 : memref<100000x128xf32, #tpu.memory_space<hbm>>) dst(%arg7 : memref<128x128xf32, #tpu.memory_space<vmem>>)
      %add3A_95 = arith.addi %mul3A_2, %add3A_88 : i32
      %mul3A_96 = arith.constant 128 : i32
      %mul3A_97 = arith.muli %add3A_95, %mul3A_96 : i32
      %dma_start3A_98 = arith.constant 0 : i32
      %dma_start3A_99 = tpu.memref_slice %arg4[%mul3A_97, %dma_start3A_98] : memref<819200x128xf32, #tpu.memory_space<hbm>> -> memref<128x128xf32, #tpu.memory_space<hbm>>
      %dma_start3A_100 = arith.constant 0 : i32
      %dma_start3A_101 = tpu.memref_slice %arg4[%mul3A_97, %dma_start3A_100] : memref<819200x128xf32, #tpu.memory_space<hbm>> -> memref<128x128xf32, #tpu.memory_space<hbm>>
      tpu.enqueue_dma source(%arg7 : memref<128x128xf32, #tpu.memory_space<vmem>>) target(%dma_start3A_101 : memref<128x128xf32, #tpu.memory_space<hbm>>) target_semaphore(%arg17 : memref<!tpu.dma_semaphore, #tpu.memory_space<semaphore_mem>>)
      %add3A_102 = arith.constant 3 : i32
      %add3A_103 = arith.addi %add3A_88, %add3A_102 : i32
      %lt3A_104 = arith.constant 200 : i32
      %lt3A_105 = arith.cmpi slt, %add3A_103, %lt3A_104 : i32
      %convert_element_type3A_106 = arith.extui %lt3A_105 : i1 to i32
      %cond3A_107 = arith.constant 0 : i32
      %cond3A_108 = arith.cmpi ne, %convert_element_type3A_106, %cond3A_107 : i32
      scf.if %cond3A_108 {
        %add3A_181 = arith.constant 3 : i32
        %add3A_182 = arith.addi %add3A_88, %add3A_181 : i32
        %ge3A = arith.constant 5 : i32
        %ge3A_183 = arith.cmpi sge, %add3A_182, %ge3A : i32
        %convert_element_type3A_184 = arith.extui %ge3A_183 : i1 to i32
        %cond3A_185 = arith.constant 0 : i32
        %cond3A_186 = arith.cmpi ne, %convert_element_type3A_184, %cond3A_185 : i32
        scf.if %cond3A_186 {
          %add3A_195 = arith.constant 3 : i32
          %add3A_196 = arith.addi %add3A_88, %add3A_195 : i32
          %sub3A = arith.constant 5 : i32
          %sub3A_197 = arith.subi %add3A_196, %sub3A : i32
          %add3A_198 = arith.addi %mul3A_2, %sub3A_197 : i32
          %mul3A_199 = arith.constant 128 : i32
          %mul3A_200 = arith.muli %add3A_198, %mul3A_199 : i32
          %dma_wait3A_201 = arith.constant 0 : i32
          %dma_wait3A_202 = tpu.memref_slice %arg4[%mul3A_200, %dma_wait3A_201] : memref<819200x128xf32, #tpu.memory_space<hbm>> -> memref<128x128xf32, #tpu.memory_space<hbm>>
          %dma_wait3A_203 = arith.constant 0 : i32
          %dma_wait3A_204 = tpu.memref_slice %arg4[%mul3A_200, %dma_wait3A_203] : memref<819200x128xf32, #tpu.memory_space<hbm>> -> memref<128x128xf32, #tpu.memory_space<hbm>>
          tpu.wait_dma2 semaphore(%arg20 : memref<!tpu.dma_semaphore, #tpu.memory_space<semaphore_mem>>) src(%arg10 : memref<128x128xf32, #tpu.memory_space<vmem>>) dst(%dma_wait3A_204 : memref<128x128xf32, #tpu.memory_space<hbm>>)
        } else {
        }
        %add3A_187 = arith.constant 3 : i32
        %add3A_188 = arith.addi %add3A_88, %add3A_187 : i32
        %mul3A_189 = arith.constant 128 : i32
        %mul3A_190 = arith.muli %add3A_188, %mul3A_189 : i32
        %dma_start3A_191 = tpu.memref_slice %arg5[%mul3A_190] : memref<25600xi32, #tpu.memory_space<vmem>> -> memref<128xi32, #tpu.memory_space<vmem>>
        %dma_start3A_192 = arith.constant 0 : i32
        %dma_start3A_193 = arith.constant 0 : i32
        %dma_start3A_194 = tpu.memref_slice %arg3[%dma_start3A_192, %dma_start3A_193] : memref<100000x128xf32, #tpu.memory_space<hbm>> -> memref<100000x128xf32, #tpu.memory_space<hbm>>
        tpu.enqueue_indirect_dma source(%dma_start3A_194 : memref<100000x128xf32, #tpu.memory_space<hbm>>) target(%arg10 : memref<128x128xf32, #tpu.memory_space<vmem>>) offsets(%dma_start3A_191 : memref<128xi32, #tpu.memory_space<vmem>>) semaphore(%arg15 : memref<!tpu.dma_semaphore, #tpu.memory_space<semaphore_mem>>)
      } else {
      }
      %mul3A_109 = arith.constant 5 : i32
      %mul3A_110 = arith.muli %scan3A_63, %mul3A_109 : i32
      %add3A_111 = arith.constant 2 : i32
      %add3A_112 = arith.addi %mul3A_110, %add3A_111 : i32
      %mul3A_113 = arith.constant 128 : i32
      %mul3A_114 = arith.muli %add3A_112, %mul3A_113 : i32
      %dma_wait3A_115 = tpu.memref_slice %arg5[%mul3A_114] : memref<25600xi32, #tpu.memory_space<vmem>> -> memref<128xi32, #tpu.memory_space<vmem>>
      %dma_wait3A_116 = arith.constant 0 : i32
      %dma_wait3A_117 = arith.constant 0 : i32
      %dma_wait3A_118 = tpu.memref_slice %arg3[%dma_wait3A_116, %dma_wait3A_117] : memref<100000x128xf32, #tpu.memory_space<hbm>> -> memref<100000x128xf32, #tpu.memory_space<hbm>>
      tpu.wait_indirect_dma semaphore(%arg13 : memref<!tpu.dma_semaphore, #tpu.memory_space<semaphore_mem>>) src(%dma_wait3A_118 : memref<100000x128xf32, #tpu.memory_space<hbm>>) dst(%arg8 : memref<128x128xf32, #tpu.memory_space<vmem>>)
      %add3A_119 = arith.addi %mul3A_2, %add3A_112 : i32
      %mul3A_120 = arith.constant 128 : i32
      %mul3A_121 = arith.muli %add3A_119, %mul3A_120 : i32
      %dma_start3A_122 = arith.constant 0 : i32
      %dma_start3A_123 = tpu.memref_slice %arg4[%mul3A_121, %dma_start3A_122] : memref<819200x128xf32, #tpu.memory_space<hbm>> -> memref<128x128xf32, #tpu.memory_space<hbm>>
      %dma_start3A_124 = arith.constant 0 : i32
      %dma_start3A_125 = tpu.memref_slice %arg4[%mul3A_121, %dma_start3A_124] : memref<819200x128xf32, #tpu.memory_space<hbm>> -> memref<128x128xf32, #tpu.memory_space<hbm>>
      tpu.enqueue_dma source(%arg8 : memref<128x128xf32, #tpu.memory_space<vmem>>) target(%dma_start3A_125 : memref<128x128xf32, #tpu.memory_space<hbm>>) target_semaphore(%arg18 : memref<!tpu.dma_semaphore, #tpu.memory_space<semaphore_mem>>)
      %add3A_126 = arith.constant 3 : i32
      %add3A_127 = arith.addi %add3A_112, %add3A_126 : i32
      %lt3A_128 = arith.constant 200 : i32
      %lt3A_129 = arith.cmpi slt, %add3A_127, %lt3A_128 : i32
      %convert_element_type3A_130 = arith.extui %lt3A_129 : i1 to i32
      %cond3A_131 = arith.constant 0 : i32
      %cond3A_132 = arith.cmpi ne, %convert_element_type3A_130, %cond3A_131 : i32
      scf.if %cond3A_132 {
        %add3A_181 = arith.constant 3 : i32
        %add3A_182 = arith.addi %add3A_112, %add3A_181 : i32
        %ge3A = arith.constant 5 : i32
        %ge3A_183 = arith.cmpi sge, %add3A_182, %ge3A : i32
        %convert_element_type3A_184 = arith.extui %ge3A_183 : i1 to i32
        %cond3A_185 = arith.constant 0 : i32
        %cond3A_186 = arith.cmpi ne, %convert_element_type3A_184, %cond3A_185 : i32
        scf.if %cond3A_186 {
          %add3A_195 = arith.constant 3 : i32
          %add3A_196 = arith.addi %add3A_112, %add3A_195 : i32
          %sub3A = arith.constant 5 : i32
          %sub3A_197 = arith.subi %add3A_196, %sub3A : i32
          %add3A_198 = arith.addi %mul3A_2, %sub3A_197 : i32
          %mul3A_199 = arith.constant 128 : i32
          %mul3A_200 = arith.muli %add3A_198, %mul3A_199 : i32
          %dma_wait3A_201 = arith.constant 0 : i32
          %dma_wait3A_202 = tpu.memref_slice %arg4[%mul3A_200, %dma_wait3A_201] : memref<819200x128xf32, #tpu.memory_space<hbm>> -> memref<128x128xf32, #tpu.memory_space<hbm>>
          %dma_wait3A_203 = arith.constant 0 : i32
          %dma_wait3A_204 = tpu.memref_slice %arg4[%mul3A_200, %dma_wait3A_203] : memref<819200x128xf32, #tpu.memory_space<hbm>> -> memref<128x128xf32, #tpu.memory_space<hbm>>
          tpu.wait_dma2 semaphore(%arg16 : memref<!tpu.dma_semaphore, #tpu.memory_space<semaphore_mem>>) src(%arg6 : memref<128x128xf32, #tpu.memory_space<vmem>>) dst(%dma_wait3A_204 : memref<128x128xf32, #tpu.memory_space<hbm>>)
        } else {
        }
        %add3A_187 = arith.constant 3 : i32
        %add3A_188 = arith.addi %add3A_112, %add3A_187 : i32
        %mul3A_189 = arith.constant 128 : i32
        %mul3A_190 = arith.muli %add3A_188, %mul3A_189 : i32
        %dma_start3A_191 = tpu.memref_slice %arg5[%mul3A_190] : memref<25600xi32, #tpu.memory_space<vmem>> -> memref<128xi32, #tpu.memory_space<vmem>>
        %dma_start3A_192 = arith.constant 0 : i32
        %dma_start3A_193 = arith.constant 0 : i32
        %dma_start3A_194 = tpu.memref_slice %arg3[%dma_start3A_192, %dma_start3A_193] : memref<100000x128xf32, #tpu.memory_space<hbm>> -> memref<100000x128xf32, #tpu.memory_space<hbm>>
        tpu.enqueue_indirect_dma source(%dma_start3A_194 : memref<100000x128xf32, #tpu.memory_space<hbm>>) target(%arg6 : memref<128x128xf32, #tpu.memory_space<vmem>>) offsets(%dma_start3A_191 : memref<128xi32, #tpu.memory_space<vmem>>) semaphore(%arg11 : memref<!tpu.dma_semaphore, #tpu.memory_space<semaphore_mem>>)
      } else {
      }
      %mul3A_133 = arith.constant 5 : i32
      %mul3A_134 = arith.muli %scan3A_63, %mul3A_133 : i32
      %add3A_135 = arith.constant 3 : i32
      %add3A_136 = arith.addi %mul3A_134, %add3A_135 : i32
      %mul3A_137 = arith.constant 128 : i32
      %mul3A_138 = arith.muli %add3A_136, %mul3A_137 : i32
      %dma_wait3A_139 = tpu.memref_slice %arg5[%mul3A_138] : memref<25600xi32, #tpu.memory_space<vmem>> -> memref<128xi32, #tpu.memory_space<vmem>>
      %dma_wait3A_140 = arith.constant 0 : i32
      %dma_wait3A_141 = arith.constant 0 : i32
      %dma_wait3A_142 = tpu.memref_slice %arg3[%dma_wait3A_140, %dma_wait3A_141] : memref<100000x128xf32, #tpu.memory_space<hbm>> -> memref<100000x128xf32, #tpu.memory_space<hbm>>
      tpu.wait_indirect_dma semaphore(%arg14 : memref<!tpu.dma_semaphore, #tpu.memory_space<semaphore_mem>>) src(%dma_wait3A_142 : memref<100000x128xf32, #tpu.memory_space<hbm>>) dst(%arg9 : memref<128x128xf32, #tpu.memory_space<vmem>>)
      %add3A_143 = arith.addi %mul3A_2, %add3A_136 : i32
      %mul3A_144 = arith.constant 128 : i32
      %mul3A_145 = arith.muli %add3A_143, %mul3A_144 : i32
      %dma_start3A_146 = arith.constant 0 : i32
      %dma_start3A_147 = tpu.memref_slice %arg4[%mul3A_145, %dma_start3A_146] : memref<819200x128xf32, #tpu.memory_space<hbm>> -> memref<128x128xf32, #tpu.memory_space<hbm>>
      %dma_start3A_148 = arith.constant 0 : i32
      %dma_start3A_149 = tpu.memref_slice %arg4[%mul3A_145, %dma_start3A_148] : memref<819200x128xf32, #tpu.memory_space<hbm>> -> memref<128x128xf32, #tpu.memory_space<hbm>>
      tpu.enqueue_dma source(%arg9 : memref<128x128xf32, #tpu.memory_space<vmem>>) target(%dma_start3A_149 : memref<128x128xf32, #tpu.memory_space<hbm>>) target_semaphore(%arg19 : memref<!tpu.dma_semaphore, #tpu.memory_space<semaphore_mem>>)
      %add3A_150 = arith.constant 3 : i32
      %add3A_151 = arith.addi %add3A_136, %add3A_150 : i32
      %lt3A_152 = arith.constant 200 : i32
      %lt3A_153 = arith.cmpi slt, %add3A_151, %lt3A_152 : i32
      %convert_element_type3A_154 = arith.extui %lt3A_153 : i1 to i32
      %cond3A_155 = arith.constant 0 : i32
      %cond3A_156 = arith.cmpi ne, %convert_element_type3A_154, %cond3A_155 : i32
      scf.if %cond3A_156 {
        %add3A_181 = arith.constant 3 : i32
        %add3A_182 = arith.addi %add3A_136, %add3A_181 : i32
        %ge3A = arith.constant 5 : i32
        %ge3A_183 = arith.cmpi sge, %add3A_182, %ge3A : i32
        %convert_element_type3A_184 = arith.extui %ge3A_183 : i1 to i32
        %cond3A_185 = arith.constant 0 : i32
        %cond3A_186 = arith.cmpi ne, %convert_element_type3A_184, %cond3A_185 : i32
        scf.if %cond3A_186 {
          %add3A_195 = arith.constant 3 : i32
          %add3A_196 = arith.addi %add3A_136, %add3A_195 : i32
          %sub3A = arith.constant 5 : i32
          %sub3A_197 = arith.subi %add3A_196, %sub3A : i32
          %add3A_198 = arith.addi %mul3A_2, %sub3A_197 : i32
          %mul3A_199 = arith.constant 128 : i32
          %mul3A_200 = arith.muli %add3A_198, %mul3A_199 : i32
          %dma_wait3A_201 = arith.constant 0 : i32
          %dma_wait3A_202 = tpu.memref_slice %arg4[%mul3A_200, %dma_wait3A_201] : memref<819200x128xf32, #tpu.memory_space<hbm>> -> memref<128x128xf32, #tpu.memory_space<hbm>>
          %dma_wait3A_203 = arith.constant 0 : i32
          %dma_wait3A_204 = tpu.memref_slice %arg4[%mul3A_200, %dma_wait3A_203] : memref<819200x128xf32, #tpu.memory_space<hbm>> -> memref<128x128xf32, #tpu.memory_space<hbm>>
          tpu.wait_dma2 semaphore(%arg17 : memref<!tpu.dma_semaphore, #tpu.memory_space<semaphore_mem>>) src(%arg7 : memref<128x128xf32, #tpu.memory_space<vmem>>) dst(%dma_wait3A_204 : memref<128x128xf32, #tpu.memory_space<hbm>>)
        } else {
        }
        %add3A_187 = arith.constant 3 : i32
        %add3A_188 = arith.addi %add3A_136, %add3A_187 : i32
        %mul3A_189 = arith.constant 128 : i32
        %mul3A_190 = arith.muli %add3A_188, %mul3A_189 : i32
        %dma_start3A_191 = tpu.memref_slice %arg5[%mul3A_190] : memref<25600xi32, #tpu.memory_space<vmem>> -> memref<128xi32, #tpu.memory_space<vmem>>
        %dma_start3A_192 = arith.constant 0 : i32
        %dma_start3A_193 = arith.constant 0 : i32
        %dma_start3A_194 = tpu.memref_slice %arg3[%dma_start3A_192, %dma_start3A_193] : memref<100000x128xf32, #tpu.memory_space<hbm>> -> memref<100000x128xf32, #tpu.memory_space<hbm>>
        tpu.enqueue_indirect_dma source(%dma_start3A_194 : memref<100000x128xf32, #tpu.memory_space<hbm>>) target(%arg7 : memref<128x128xf32, #tpu.memory_space<vmem>>) offsets(%dma_start3A_191 : memref<128xi32, #tpu.memory_space<vmem>>) semaphore(%arg12 : memref<!tpu.dma_semaphore, #tpu.memory_space<semaphore_mem>>)
      } else {
      }
      %mul3A_157 = arith.constant 5 : i32
      %mul3A_158 = arith.muli %scan3A_63, %mul3A_157 : i32
      %add3A_159 = arith.constant 4 : i32
      %add3A_160 = arith.addi %mul3A_158, %add3A_159 : i32
      %mul3A_161 = arith.constant 128 : i32
      %mul3A_162 = arith.muli %add3A_160, %mul3A_161 : i32
      %dma_wait3A_163 = tpu.memref_slice %arg5[%mul3A_162] : memref<25600xi32, #tpu.memory_space<vmem>> -> memref<128xi32, #tpu.memory_space<vmem>>
      %dma_wait3A_164 = arith.constant 0 : i32
      %dma_wait3A_165 = arith.constant 0 : i32
      %dma_wait3A_166 = tpu.memref_slice %arg3[%dma_wait3A_164, %dma_wait3A_165] : memref<100000x128xf32, #tpu.memory_space<hbm>> -> memref<100000x128xf32, #tpu.memory_space<hbm>>
      tpu.wait_indirect_dma semaphore(%arg15 : memref<!tpu.dma_semaphore, #tpu.memory_space<semaphore_mem>>) src(%dma_wait3A_166 : memref<100000x128xf32, #tpu.memory_space<hbm>>) dst(%arg10 : memref<128x128xf32, #tpu.memory_space<vmem>>)
      %add3A_167 = arith.addi %mul3A_2, %add3A_160 : i32
      %mul3A_168 = arith.constant 128 : i32
      %mul3A_169 = arith.muli %add3A_167, %mul3A_168 : i32
      %dma_start3A_170 = arith.constant 0 : i32
      %dma_start3A_171 = tpu.memref_slice %arg4[%mul3A_169, %dma_start3A_170] : memref<819200x128xf32, #tpu.memory_space<hbm>> -> memref<128x128xf32, #tpu.memory_space<hbm>>
      %dma_start3A_172 = arith.constant 0 : i32
      %dma_start3A_173 = tpu.memref_slice %arg4[%mul3A_169, %dma_start3A_172] : memref<819200x128xf32, #tpu.memory_space<hbm>> -> memref<128x128xf32, #tpu.memory_space<hbm>>
      tpu.enqueue_dma source(%arg10 : memref<128x128xf32, #tpu.memory_space<vmem>>) target(%dma_start3A_173 : memref<128x128xf32, #tpu.memory_space<hbm>>) target_semaphore(%arg20 : memref<!tpu.dma_semaphore, #tpu.memory_space<semaphore_mem>>)
      %add3A_174 = arith.constant 3 : i32
      %add3A_175 = arith.addi %add3A_160, %add3A_174 : i32
      %lt3A_176 = arith.constant 200 : i32
      %lt3A_177 = arith.cmpi slt, %add3A_175, %lt3A_176 : i32
      %convert_element_type3A_178 = arith.extui %lt3A_177 : i1 to i32
      %cond3A_179 = arith.constant 0 : i32
      %cond3A_180 = arith.cmpi ne, %convert_element_type3A_178, %cond3A_179 : i32
      scf.if %cond3A_180 {
        %add3A_181 = arith.constant 3 : i32
        %add3A_182 = arith.addi %add3A_160, %add3A_181 : i32
        %ge3A = arith.constant 5 : i32
        %ge3A_183 = arith.cmpi sge, %add3A_182, %ge3A : i32
        %convert_element_type3A_184 = arith.extui %ge3A_183 : i1 to i32
        %cond3A_185 = arith.constant 0 : i32
        %cond3A_186 = arith.cmpi ne, %convert_element_type3A_184, %cond3A_185 : i32
        scf.if %cond3A_186 {
          %add3A_195 = arith.constant 3 : i32
          %add3A_196 = arith.addi %add3A_160, %add3A_195 : i32
          %sub3A = arith.constant 5 : i32
          %sub3A_197 = arith.subi %add3A_196, %sub3A : i32
          %add3A_198 = arith.addi %mul3A_2, %sub3A_197 : i32
          %mul3A_199 = arith.constant 128 : i32
          %mul3A_200 = arith.muli %add3A_198, %mul3A_199 : i32
          %dma_wait3A_201 = arith.constant 0 : i32
          %dma_wait3A_202 = tpu.memref_slice %arg4[%mul3A_200, %dma_wait3A_201] : memref<819200x128xf32, #tpu.memory_space<hbm>> -> memref<128x128xf32, #tpu.memory_space<hbm>>
          %dma_wait3A_203 = arith.constant 0 : i32
          %dma_wait3A_204 = tpu.memref_slice %arg4[%mul3A_200, %dma_wait3A_203] : memref<819200x128xf32, #tpu.memory_space<hbm>> -> memref<128x128xf32, #tpu.memory_space<hbm>>
          tpu.wait_dma2 semaphore(%arg18 : memref<!tpu.dma_semaphore, #tpu.memory_space<semaphore_mem>>) src(%arg8 : memref<128x128xf32, #tpu.memory_space<vmem>>) dst(%dma_wait3A_204 : memref<128x128xf32, #tpu.memory_space<hbm>>)
        } else {
        }
        %add3A_187 = arith.constant 3 : i32
        %add3A_188 = arith.addi %add3A_160, %add3A_187 : i32
        %mul3A_189 = arith.constant 128 : i32
        %mul3A_190 = arith.muli %add3A_188, %mul3A_189 : i32
        %dma_start3A_191 = tpu.memref_slice %arg5[%mul3A_190] : memref<25600xi32, #tpu.memory_space<vmem>> -> memref<128xi32, #tpu.memory_space<vmem>>
        %dma_start3A_192 = arith.constant 0 : i32
        %dma_start3A_193 = arith.constant 0 : i32
        %dma_start3A_194 = tpu.memref_slice %arg3[%dma_start3A_192, %dma_start3A_193] : memref<100000x128xf32, #tpu.memory_space<hbm>> -> memref<100000x128xf32, #tpu.memory_space<hbm>>
        tpu.enqueue_indirect_dma source(%dma_start3A_194 : memref<100000x128xf32, #tpu.memory_space<hbm>>) target(%arg8 : memref<128x128xf32, #tpu.memory_space<vmem>>) offsets(%dma_start3A_191 : memref<128xi32, #tpu.memory_space<vmem>>) semaphore(%arg13 : memref<!tpu.dma_semaphore, #tpu.memory_space<semaphore_mem>>)
      } else {
      }
    }
    %scan3A_23 = arith.constant 40 : i32
    %add3A_24 = arith.constant 195 : i32
    %add3A_25 = arith.addi %mul3A_2, %add3A_24 : i32
    %mul3A_26 = arith.constant 128 : i32
    %mul3A_27 = arith.muli %add3A_25, %mul3A_26 : i32
    %dma_wait3A = arith.constant 0 : i32
    %dma_wait3A_28 = tpu.memref_slice %arg4[%mul3A_27, %dma_wait3A] : memref<819200x128xf32, #tpu.memory_space<hbm>> -> memref<128x128xf32, #tpu.memory_space<hbm>>
    %dma_wait3A_29 = arith.constant 0 : i32
    %dma_wait3A_30 = tpu.memref_slice %arg4[%mul3A_27, %dma_wait3A_29] : memref<819200x128xf32, #tpu.memory_space<hbm>> -> memref<128x128xf32, #tpu.memory_space<hbm>>
    tpu.wait_dma2 semaphore(%arg16 : memref<!tpu.dma_semaphore, #tpu.memory_space<semaphore_mem>>) src(%arg6 : memref<128x128xf32, #tpu.memory_space<vmem>>) dst(%dma_wait3A_30 : memref<128x128xf32, #tpu.memory_space<hbm>>)
    %add3A_31 = arith.constant 196 : i32
    %add3A_32 = arith.addi %mul3A_2, %add3A_31 : i32
    %mul3A_33 = arith.constant 128 : i32
    %mul3A_34 = arith.muli %add3A_32, %mul3A_33 : i32
    %dma_wait3A_35 = arith.constant 0 : i32
    %dma_wait3A_36 = tpu.memref_slice %arg4[%mul3A_34, %dma_wait3A_35] : memref<819200x128xf32, #tpu.memory_space<hbm>> -> memref<128x128xf32, #tpu.memory_space<hbm>>
    %dma_wait3A_37 = arith.constant 0 : i32
    %dma_wait3A_38 = tpu.memref_slice %arg4[%mul3A_34, %dma_wait3A_37] : memref<819200x128xf32, #tpu.memory_space<hbm>> -> memref<128x128xf32, #tpu.memory_space<hbm>>
    tpu.wait_dma2 semaphore(%arg17 : memref<!tpu.dma_semaphore, #tpu.memory_space<semaphore_mem>>) src(%arg7 : memref<128x128xf32, #tpu.memory_space<vmem>>) dst(%dma_wait3A_38 : memref<128x128xf32, #tpu.memory_space<hbm>>)
    %add3A_39 = arith.constant 197 : i32
    %add3A_40 = arith.addi %mul3A_2, %add3A_39 : i32
    %mul3A_41 = arith.constant 128 : i32
    %mul3A_42 = arith.muli %add3A_40, %mul3A_41 : i32
    %dma_wait3A_43 = arith.constant 0 : i32
    %dma_wait3A_44 = tpu.memref_slice %arg4[%mul3A_42, %dma_wait3A_43] : memref<819200x128xf32, #tpu.memory_space<hbm>> -> memref<128x128xf32, #tpu.memory_space<hbm>>
    %dma_wait3A_45 = arith.constant 0 : i32
    %dma_wait3A_46 = tpu.memref_slice %arg4[%mul3A_42, %dma_wait3A_45] : memref<819200x128xf32, #tpu.memory_space<hbm>> -> memref<128x128xf32, #tpu.memory_space<hbm>>
    tpu.wait_dma2 semaphore(%arg18 : memref<!tpu.dma_semaphore, #tpu.memory_space<semaphore_mem>>) src(%arg8 : memref<128x128xf32, #tpu.memory_space<vmem>>) dst(%dma_wait3A_46 : memref<128x128xf32, #tpu.memory_space<hbm>>)
    %add3A_47 = arith.constant 198 : i32
    %add3A_48 = arith.addi %mul3A_2, %add3A_47 : i32
    %mul3A_49 = arith.constant 128 : i32
    %mul3A_50 = arith.muli %add3A_48, %mul3A_49 : i32
    %dma_wait3A_51 = arith.constant 0 : i32
    %dma_wait3A_52 = tpu.memref_slice %arg4[%mul3A_50, %dma_wait3A_51] : memref<819200x128xf32, #tpu.memory_space<hbm>> -> memref<128x128xf32, #tpu.memory_space<hbm>>
    %dma_wait3A_53 = arith.constant 0 : i32
    %dma_wait3A_54 = tpu.memref_slice %arg4[%mul3A_50, %dma_wait3A_53] : memref<819200x128xf32, #tpu.memory_space<hbm>> -> memref<128x128xf32, #tpu.memory_space<hbm>>
    tpu.wait_dma2 semaphore(%arg19 : memref<!tpu.dma_semaphore, #tpu.memory_space<semaphore_mem>>) src(%arg9 : memref<128x128xf32, #tpu.memory_space<vmem>>) dst(%dma_wait3A_54 : memref<128x128xf32, #tpu.memory_space<hbm>>)
    %add3A_55 = arith.constant 199 : i32
    %add3A_56 = arith.addi %mul3A_2, %add3A_55 : i32
    %mul3A_57 = arith.constant 128 : i32
    %mul3A_58 = arith.muli %add3A_56, %mul3A_57 : i32
    %dma_wait3A_59 = arith.constant 0 : i32
    %dma_wait3A_60 = tpu.memref_slice %arg4[%mul3A_58, %dma_wait3A_59] : memref<819200x128xf32, #tpu.memory_space<hbm>> -> memref<128x128xf32, #tpu.memory_space<hbm>>
    %dma_wait3A_61 = arith.constant 0 : i32
    %dma_wait3A_62 = tpu.memref_slice %arg4[%mul3A_58, %dma_wait3A_61] : memref<819200x128xf32, #tpu.memory_space<hbm>> -> memref<128x128xf32, #tpu.memory_space<hbm>>
    tpu.wait_dma2 semaphore(%arg20 : memref<!tpu.dma_semaphore, #tpu.memory_space<semaphore_mem>>) src(%arg10 : memref<128x128xf32, #tpu.memory_space<vmem>>) dst(%dma_wait3A_62 : memref<128x128xf32, #tpu.memory_space<hbm>>)
    return
  }
}

</mosaic_0001>

<sc_bundles>
// kernel: kernel.3.cloned.1.call-start
scs
__scs_entry_jumppad:
0x0: {  	(pc) =	sbr.rel $0x88, $3  }
0x1: {  	(tag) =	ssettag $0x0;
	lr =	simm.s32 $0x1  }
0x2: {  	[smem:$0x3F9F] =	sst lr;
	_ =	strace $0xD0000000  }
0x3: {  	_ = 	snop  }
0x4: {  	_ = 	snop  }
0x5: {  	_ = 	snop  }
0x6: {  	_ = 	snop  }
0x7: {  	_ = 	snop  }
__scs_overlays_trampoline_lowered:
0x8: {  	[smem:$0x3FAE] =	sst s0  }
0x9: {  	[smem:$0x3FAF] =	sst s1  }
0xa: {  	[smem:$0x3FB0] =	sst s2  }
0xb: {  	[smem:$0x3FB1] =	sst s3  }
0xc: {  	[smem:$0x3FB2] =	sst s4  }
0xd: {  	[smem:$0x3FB3] =	sst s5  }
0xe: {  	[smem:$0x3FB4] =	sst s6  }
0xf: {  	[smem:$0x3FB5] =	sst s7  }
0x10: {  	[smem:$0x3FB6] =	sst s8  }
0x11: {  	[smem:$0x3FB7] =	sst s9;
	s0 =	simm.s32 @!p0 $0x0  }
0x12: {  	s1 =	sld [smem:$0x3F9D];
	s0 =	simm.s32 @p0 $0x1  }
0x13: {  	[smem:$0x3FB8] =	sst s0;
	s0 =	simm.s32 @!p1 $0x0  }
0x14: {  	s2 =	sld [smem:$0x3F9C];
	s0 =	simm.s32 @p1 $0x1  }
0x15: {  	[smem:$0x3FB9] =	sst s0;
	s0 =	simm.s32 @!p2 $0x0  }
0x16: {  	s3 =	sld [smem:$0x3FDB];
	s0 =	simm.s32 @p2 $0x1  }
0x17: {  	s4 =	simm.s32 $0x1BF5;
	[smem:$0x3FBB] =	sst s0  }
0x18: {  	s0 =	sld [smem:$0x3F9E];
	_ =	swait.ge [sflag:s4], $0x0  }
0x19: {  	s7 =	sld [smem:$0x3F9F]  }
0x1a: {  	s8 =	sadd.s32 $0xFFFFE003, lr  }
0x1b: {  	s9 =	sadd.s32 $0xFFFFFEF7, lr;
	s5 =	simm.s32 $0xFFFFFFFF;
	p2 =	slt.u32 s8, $0xFFFFF086  }
0x1c: {  	p1 =	slt.u32 s9, $0xF7A;
	s5 =	simm.s32 @!p2 $0x0  }
0x1d: {  	s5 =	simm.s32 @p1 $0x1;
	p0 =	seq.s32 s7, s2  }
0x1e: {  	s7 =	smul.u32 @!p0 $0xF7A, s2;
	p2 =	seq.s32 @!p0 s5, $0x0  }
0x1f: {  	s9 =	smul.u32 $0xF7A, s1;
	s8 =	simm.s32 @!p0 $0x1BF5;
	p2 =	por !p2, p0  }
0x20: {  	[sflag:s8] =	ssyncset.s32 @!p0 $0xFFFFF086;
	s6 =	sadd.s32 @!p0 s3, s7;
	s7 =	simm.s32 @!p0 $0x108  }
0x21: {  	s3 =	sadd.s32 s3, s9;
	s6 =	sadd.s32 @!p0 $0x88, s6;
	s7 =	simm.s32 @p2 $0x1082  }
0x22: {  	[simem:s7], [sflag:s8] =	dma.local @!p0 [hbm:s6], $0xF7A  }
0x23: {  	s9 =	sor.u32 $0xD0000000, s2;
	s6 =	simm.s32 $0x108;
	_ =	swait.ge @!p0 [sflag:s8], $0x0  }
0x24: {  	s3 =	sadd.s32 $0x88, s3;
	s6 =	simm.s32 @!p1 $0x1082;
	[sflag:s4] =	ssyncset.s32 $0xFFFFF086  }
0x25: {  	[simem:s6], [sflag:s4] =	dma.local [hbm:s3], $0xF7A  }
0x26: {  	[smem:$0x3F9F] =	sst s1;
	(tag) =	ssettag s2;
	_ =	strace s9  }
0x27: {  	s1 =	sld [smem:$0x3FAF]  }
0x28: {  	s2 =	sld [smem:$0x3FB0]  }
0x29: {  	s4 =	sld [smem:$0x3FB2]  }
0x2a: {  	p0 =	seq.s32 s5, $0x0;
	s5 =	sld [smem:$0x3FB3]  }
0x2b: {  	s6 =	sld [smem:$0x3FB4]  }
0x2c: {  	s7 =	sld [smem:$0x3FB5]  }
0x2d: {  	s3 =	simm.s32 $0x108;
	s8 =	sld [smem:$0x3FB6]  }
0x2e: {  	s3 =	simm.s32 @!p0 $0x1082;
	s9 =	sld [smem:$0x3FB7]  }
0x2f: {  	lr =	sadd.s32 s0, s3;
	s0 =	sld [smem:$0x3FAE]  }
0x30: {  	s3 =	sld [smem:$0x3FB1]  }
0x31: {  	[smem:$0x3FBA] =	sst s10  }
0x32: {  	s10 =	sld [smem:$0x3FB8];
	_ =	sdelay $0x3  }
0x33: {  	p0 =	seq.s32 s10, $0x1;
	s10 =	sld [smem:$0x3FBA];
	_ =	sdelay $0x3  }
0x34: {  	[smem:$0x3FBA] =	sst s10  }
0x35: {  	s10 =	sld [smem:$0x3FB9];
	_ =	sdelay $0x3  }
0x36: {  	p1 =	seq.s32 s10, $0x1;
	s10 =	sld [smem:$0x3FBA];
	_ =	sdelay $0x3  }
0x37: {  	[smem:$0x3FBA] =	sst s10  }
0x38: {  	s10 =	sld [smem:$0x3FBB]  }
0x39: {  	_ = 	snop;
	(pc) =	sbr.ind lr, $3  }
0x3a: {  	_ = 	snop  }
0x3b: {  	_ = 	snop  }
0x3c: {  	p2 =	seq.s32 s10, $0x1;
	s10 =	sld [smem:$0x3FBA]  }
0x3d: {  	_ =	shalt  }
0x3e: {  	_ =	shalt  }
0x3f: {  	_ =	shalt  }
0x40: {  	_ =	shalt  }
0x41: {  	_ =	shalt  }
0x42: {  	_ =	shalt  }
0x43: {  	_ =	shalt  }
0x44: {  	_ =	shalt  }
0x45: {  	_ =	shalt  }
0x46: {  	_ =	shalt  }
0x47: {  	_ =	shalt  }
0x48: {  	_ =	shalt  }
0x49: {  	_ =	shalt  }
0x4a: {  	_ =	shalt  }
0x4b: {  	_ =	shalt  }
0x4c: {  	_ =	shalt  }
0x4d: {  	_ =	shalt  }
0x4e: {  	_ =	shalt  }
0x4f: {  	_ =	shalt  }
0x50: {  	_ =	shalt  }
0x51: {  	_ =	shalt  }
0x52: {  	_ =	shalt  }
0x53: {  	_ =	shalt  }
0x54: {  	_ =	shalt  }
0x55: {  	_ =	shalt  }
0x56: {  	_ =	shalt  }
0x57: {  	_ =	shalt  }
0x58: {  	_ =	shalt  }
0x59: {  	_ =	shalt  }
0x5a: {  	_ =	shalt  }
0x5b: {  	_ =	shalt  }
0x5c: {  	_ =	shalt  }
0x5d: {  	_ =	shalt  }
0x5e: {  	_ =	shalt  }
0x5f: {  	_ =	shalt  }
0x60: {  	_ =	shalt  }
0x61: {  	_ =	shalt  }
0x62: {  	_ =	shalt  }
0x63: {  	_ =	shalt  }
0x64: {  	_ =	shalt  }
0x65: {  	_ =	shalt  }
0x66: {  	_ =	shalt  }
0x67: {  	_ =	shalt  }
0x68: {  	_ =	shalt  }
0x69: {  	_ =	shalt  }
0x6a: {  	_ =	shalt  }
0x6b: {  	_ =	shalt  }
0x6c: {  	_ =	shalt  }
0x6d: {  	_ =	shalt  }
0x6e: {  	_ =	shalt  }
0x6f: {  	_ =	shalt  }
0x70: {  	_ =	shalt  }
0x71: {  	_ =	shalt  }
0x72: {  	_ =	shalt  }
0x73: {  	_ =	shalt  }
0x74: {  	_ =	shalt  }
0x75: {  	_ =	shalt  }
0x76: {  	_ =	shalt  }
0x77: {  	_ =	shalt  }
0x78: {  	_ =	shalt  }
0x79: {  	_ =	shalt  }
0x7a: {  	_ =	shalt  }
0x7b: {  	_ =	shalt  }
0x7c: {  	_ =	shalt  }
0x7d: {  	_ =	shalt  }
0x7e: {  	_ =	shalt  }
0x7f: {  	_ =	shalt  }
0x80: {  	_ =	shalt  }
0x81: {  	_ =	shalt  }
0x82: {  	_ =	shalt  }
0x83: {  	_ =	shalt  }
0x84: {  	_ =	shalt  }
0x85: {  	_ =	shalt  }
0x86: {  	_ =	shalt  }
0x87: {  	_ =	shalt  }
.Lfunc_end0:
.L_simem_size_0:
called_computation_lowered:
.L_overlay_start_0:
0x88: {  	s2 =	sld [smem:$0x3FD9]  }
0x89: {  	s3 =	sld [smem:$0x3FFE];
	_ =	sdelay $0x1  }
0x8a: {  	s1 =	srdreg.scid  }
0x8b: {  	s0 =	sand.u32 $0x1, s1  }
0x8c: {  	s17 =	sshll.u32 s0, $0xA;
	s2 =	sadd.s32 s3, s2  }
0x8d: {  	s2 =	sadd.s32 s2, s17  }
0x8e: {  	[smem:$0x3FC6] =	sst s2  }
0x8f: {  	_ = 	snop  }
0x90: {  	s2 =	sld [smem:$0x3FC8]  }
0x91: {  	s18 =	sld [smem:$0x3FD0];
	(tm) =	ssettm $0x1  }
0x92: {  	s4 =	sld [smem:$0x3FFB];
	_ =	sdelay $0x3  }
0x93: {  	_ =	strace s4  }
0x94: {  	s4 =	sld [smem:$0x3FFC];
	_ =	sdelay $0x3  }
0x95: {  	_ =	strace s4  }
0x96: {  	s4 =	sld [smem:$0x3FFD];
	_ =	sdelay $0x3  }
0x97: {  	_ =	strace s4  }
0x98: {  	_ =	strace $0x8FFFFFFF  }
0x99: {  	s19 =	sld [smem:$0x3FDB];
	_ =	sdelay $0x1  }
0x9a: {  	s5 =	simm.s32 $_scs_section_size  }
0x9b: {  	s6 =	simm.s32 $_size__tile_overlayer_lowered;
	s7 =	simm.s32 $_tile_overlayer_lowered  }
0x9c: {  	s22 =	simm.s32 $0x1BFF;
	s21 =	sshll.u32 s7, $0x1;
	s4 =	sadd.s32 s5, s19  }
0x9d: {  	s8 =	simm.s32 $0x0;
	s20 =	sshll.u32 s6, $0x1;
	s6 =	sadd.s32 s21, s4  }
0x9e: {  	[timem:s8], [sflag:s22] =	dma.local [hbm:s6], s20  }
0x9f: {  	_ =	swait.ge [sflag:s22], s20  }
0xa0: {  	s5 =	ssub.s32 $0x0, s20;
	[sflag:s22] =	ssyncset.done $0x0  }
0xa1: {  	[sflag:s22] =	ssyncadd.s32 s5;
	_ =	sdelay $0x1  }
0xa2: {  	s23 =	simm.s32 $0x1B8B  }
0xa3: {  	_ =	swait.ge [sflag:s23], $0x1  }
0xa4: {  	[sflag:s23] =	ssyncset.done $0x0  }
0xa5: {  	s25 =	simm.s32 $0x1B8E;
	s24 =	sld [smem:$0x3FFE];
	[sflag:s23] =	ssyncadd.s32 $0xFFFFFFFF  }
0xa6: {  	s26 =	simm.s32 $execute0_lowered;
	[smem:$0x3FD2] =	sst s25  }
0xa7: {  	s6 =	sshll.u32 s26, $0x1;
	_ =	strace $0x80000046;
	[dreg:$0x1] =	wrdreg $0xFFFFFFFF  }
0xa8: {  	s28 =	simm.s32 $_size_execute0_lowered;
	s4 =	sadd.s32 s4, s6;
	[dreg:$0x0] =	wrdreg $0x0  }
0xa9: {  	s6 =	sshll.u32 s28, $0x1;
	[dreg:$0x2] =	wrdreg s4  }
0xaa: {  	[dreg:$0x3] =	wrdreg s6  }
0xab: {  	[dreg:$0x4] =	wrdreg $0xC0  }
0xac: {  	_ =	task [dreg:s8], $0x5FFFF  }
0xad: {  	[dreg:$0x1] =	wrdreg $0xFFFFFFFF  }
0xae: {  	[dreg:$0x0] =	wrdreg $0x60  }
0xaf: {  	[dreg:$0x2] =	wrdreg s24  }
0xb0: {  	[dreg:$0x3] =	wrdreg s2  }
0xb1: {  	[dreg:$0x4] =	wrdreg s18  }
0xb2: {  	[dreg:$0x5] =	wrdreg $0x9  }
0xb3: {  	_ =	task.clear_ibuf [dreg:s8], $0x6FFFF;
	_ =	strace $0x90000046  }
0xb4: {  	s29 =	simm.s32 $0x9;
	_ =	strace $0x80000048  }
0xb5: {  	_ =	swait.ge [sflag:s29], $0x1  }
0xb6: {  	[sflag:s29] =	ssyncadd.s32 $0xFFFFFFFF  }
0xb7: {  	_ =	strace $0x90000048  }
0xb8: {  	_ =	sfence  }
0xb9: {  	s30 =	sld [smem:$0x0];
	_ =	sdelay $0x2  }
0xba: {  	s31 =	sshll.u32 s1, $0xD;
	s1 =	sshrl.u32 s1, $0x2  }
0xbb: {  	s3 =	sand.u32 $0x4000, s31;
	s1 =	sadd.s32 s1, s30  }
0xbc: {  	s0 =	sor.u32 s3, s0;
	s1 =	sshll.u32 s1, $0x11  }
0xbd: {  	s0 =	sor.u32 s1, s0  }
0xbe: {  	s0 =	sadd.s32 $0x8F2B, s0  }
0xbf: {  	[sflag:s0] =	ssyncadd.remote.s32 $0x1  }
0xc0: {  	_ =	sfence.sel $0xFFFF  }
0xc1: {  	[dreg:$0x0] =	wrdreg $0xFFFFFFFF;
	(pc) =	sbr.abs _section_cstart, $3  }
0xc2: {  	[dreg:$0x1] =	wrdreg $0xFFFFFFFF  }
0xc3: {  	_ =	task.clear_ibuf [dreg:s8], $0x2FFFF;
	_ =	strace $0x9FFFFFFF  }
0xc4: {  	(tm) =	ssettm $0x7FFFFFFF  }
0xc5: {  	_ =	shalt  }
tec
execute0_lowered:
.L_overlay_start_1:
0x0: {  	(tag) =	ssettag $0x1  }
0x1: {  	s1 =	srdreg.scid;
	s5 =	rddreg [dreg:$0x0]  }
0x2: {  	s0 =	stileid.u32;
	s2 =	rddreg [dreg:$0x1];
	s4 =	simm.s32 $0x0  }
0x3: {  	s14 =	simm.s32 $0xE400;
	s15 =	simm.s32 $0x1;
	s16 =	simm.s32 $0x12400  }
0x4: {  	s17 =	simm.s32 $0x2;
	s18 =	simm.s32 $0x16400;
	s19 =	simm.s32 $0x3  }
0x5: {  	s20 =	simm.s32 $0x4;
	s21 =	simm.s32 $0x5;
	s22 =	simm.s32 $0x6  }
0x6: {  	s23 =	simm.s32 $0x7;
	s24 =	simm.s32 $0x8;
	s8 =	smul.u32 $0x190, s0  }
0x7: {  	s28 =	simm.s32 $0x0;
	s6 =	sand.u32 $0x1, s1;
	s12 =	smul.u32 $0xC8000, s0  }
0x8: {  	s25 =	sshll.u32 s0, $0x1;
	[smem:$0x7FF] =	sst s4;
	s10 =	smul.u32 $0xC8, s6  }
0x9: {  	s1 =	sor.u32 s6, s25;
	s9 =	ssub.s32 $0x2, s6;
	s29 =	smul.u32 $0x64000, s6  }
0xa: {  	_ =	strace $0x80000047;
	s7 =	smul.u32 $0xC80, s1;
	s11 =	sshrl.u32 s9, $0x1  }
.Ltmp0:
0xb: {  	s25 =	simm.s32 $0x9;
	s26 =	ssub.s32 s9, s11;
	(pc) =	sbr.rel .LBB2_1-.Ltmp0, $4  }
0xc: {  	s31 =	sadd.s32 s10, s8;
	s8 =	sadd.s32 s29, s12;
	s9 =	simm.s32 $0xB  }
0xd: {  	s10 =	simm.s32 $0x80;
	s11 =	simm.s32 $0x6400;
	s5 =	sadd.s32 s7, s5  }
0xe: {  	s12 =	simm.s32 $0xA400;
	s6 =	smax.u32 s26, $0x1;
	s30 =	sadd.s32 $0x400, s5  }
0xf: {  	s7 =	sshll.u32 s31, $0xB;
	s26 =	simm.s32 $0xA;
	[dreg:$0x4] =	wrdreg s30  }
.LBB2_4:
0x10: {  	_ =	swait.ge [sflag:s22], $0x4000  }
0x11: {  	[sflag:s22] =	ssyncset.done $0x0  }
0x12: {  	[sflag:s22] =	ssyncadd.s32 $0xFFFFC000  }
0x13: {  	_ =	swait.ge [sflag:s23], $0x4000  }
0x14: {  	[sflag:s23] =	ssyncset.done $0x0  }
0x15: {  	[sflag:s23] =	ssyncadd.s32 $0xFFFFC000  }
0x16: {  	_ =	swait.ge [sflag:s24], $0x4000  }
0x17: {  	[sflag:s24] =	ssyncset.done $0x0  }
0x18: {  	s28 =	sadd.s32 $0x1, s28;
	[sflag:s24] =	ssyncadd.s32 $0xFFFFC000  }
0x19: {  	p0 =	sne.s32 s28, s6;
	_ =	swait.ge [sflag:s25], $0x4000  }
.Ltmp1:
0x1a: {  	[sflag:s25] =	ssyncset.done $0x0;
	(pc) =	sbr.rel @!p0 .LBB2_5-.Ltmp1, $4  }
0x1b: {  	[sflag:s25] =	ssyncadd.s32 $0xFFFFC000  }
0x1c: {  	_ =	swait.ge [sflag:s26], $0x4000  }
0x1d: {  	[sflag:s26] =	ssyncset.done $0x0  }
0x1e: {  	[sflag:s26] =	ssyncadd.s32 $0xFFFFC000  }
.LBB2_1:
0x1f: {  	s0 =	rddreg [dreg:$0x4]  }
0x20: {  	[tilespmem:s4], [sflag:$0xB] =	stream.linear.gather [hbm4b:s0+s4], $0x6400, $0x38;
	[tilespmem:$0x1A400] =	vst v63  }
0x21: {  	_ =	swait.ge [sflag:s9], $0x6400  }
0x22: {  	[sflag:s9] =	ssyncset.done $0x0  }
0x23: {  	[sflag:s9] =	ssyncadd.s32 $0xFFFF9C00  }
0x24: {  	[tilespmem:s11], [sflag:$0x1] =	stream.indirect.gather [hbm4b:s2+s10], $0x80, s4, s10, $0xb8;
	[tilespmem:$0x1A400] =	vst v63  }
0x25: {  	_ = 	snop  }
0x26: {  	[tilespmem:s12], [sflag:$0x2] =	stream.indirect.gather [hbm4b:s2+s10], $0x80, s10, s10, $0xb8;
	[tilespmem:$0x1A400] =	vst v63  }
0x27: {  	s31 =	simm.s32 $0x100;
	s30 =	simm.s32 $0x0;
	s29 =	rddreg [dreg:$0x2]  }
0x28: {  	[tilespmem:s14], [sflag:$0x3] =	stream.indirect.gather [hbm4b:s2+s10], $0x80, s31, s10, $0xb8;
	[tilespmem:$0x1A400] =	vst v63  }
.LBB2_2:
0x29: {  	_ =	swait.ge [sflag:s15], $0x4000  }
0x2a: {  	p0 =	seq.s32 s30, $0x0;
	[sflag:s15] =	ssyncset.done $0x0  }
0x2b: {  	s31 =	sadd.s32 s29, s8;
	s1 =	simm.s32 @!p0 $0x9;
	[sflag:s15] =	ssyncadd.s32 $0xFFFFC000  }
0x2c: {  	[hbm4b:s31+s4] =	stream.linear.scatter [tilespmem:s11], [sflag:$0x6], $0x4000, $0x38;
	[tilespmem:$0x1A400] =	vst v63  }
0x2d: {  	_ =	swait.ge @!p0 [sflag:s1], $0x4000  }
0x2e: {  	s31 =	sshra.s32 s30, $0x2;
	[sflag:s1] =	ssyncset.done @!p0 $0x0  }
0x2f: {  	s5 =	sadd.s32 $0x180, s31;
	[sflag:s1] =	ssyncadd.s32 @!p0 $0xFFFFC000  }
0x30: {  	[tilespmem:s16], [sflag:$0x4] =	stream.indirect.gather [hbm4b:s2+s10], $0x80, s5, s10, $0xb8;
	[tilespmem:$0x1A400] =	vst v63  }
0x31: {  	_ =	swait.ge [sflag:s17], $0x4000  }
0x32: {  	s1 =	sadd.s32 s29, s7;
	[sflag:s17] =	ssyncset.done $0x0  }
0x33: {  	s0 =	sadd.s32 $0x800, s1;
	[sflag:s17] =	ssyncadd.s32 $0xFFFFC000  }
0x34: {  	[hbm4b:s0+s4] =	stream.linear.scatter [tilespmem:s12], [sflag:$0x7], $0x4000, $0x38;
	[tilespmem:$0x1A400] =	vst v63  }
0x35: {  	s0 =	simm.s32 @!p0 $0xA  }
0x36: {  	_ =	swait.ge @!p0 [sflag:s0], $0x4000  }
0x37: {  	[sflag:s0] =	ssyncset.done @!p0 $0x0  }
0x38: {  	s13 =	sadd.s32 $0x200, s31;
	[sflag:s0] =	ssyncadd.s32 @!p0 $0xFFFFC000  }
0x39: {  	[tilespmem:s18], [sflag:$0x5] =	stream.indirect.gather [hbm4b:s2+s10], $0x80, s13, s10, $0xb8;
	[tilespmem:$0x1A400] =	vst v63  }
0x3a: {  	_ =	swait.ge [sflag:s19], $0x4000  }
0x3b: {  	p0 =	seq.s32 s30, $0x18600;
	[sflag:s19] =	ssyncset.done $0x0  }
0x3c: {  	s3 =	sadd.s32 $0x1000, s1;
	s0 =	simm.s32 @!p0 $0x6;
	[sflag:s19] =	ssyncadd.s32 $0xFFFFC000  }
0x3d: {  	[hbm4b:s3+s4] =	stream.linear.scatter [tilespmem:s14], [sflag:$0x8], $0x4000, $0x38;
	[tilespmem:$0x1A400] =	vst v63  }
0x3e: {  	_ =	swait.ge @!p0 [sflag:s0], $0x4000  }
0x3f: {  	[sflag:s0] =	ssyncset.done @!p0 $0x0  }
0x40: {  	[sflag:s0] =	ssyncadd.s32 @!p0 $0xFFFFC000;
	s0 =	sshra.s32 @!p0 s30, $0x2  }
0x41: {  	s13 =	simm.s32 @!p0 $0x80;
	s5 =	simm.s32 @!p0 $0x6400;
	s3 =	sadd.s32 @!p0 $0x280, s0  }
0x42: {  	[tilespmem:s5], [sflag:$0x1] =	stream.indirect.gather @!p0 [hbm4b:s2+s13], $0x80, s3, s13, $0xb8;
	[tilespmem:$0x1A400] =	vst v63  }
0x43: {  	_ =	swait.ge [sflag:s20], $0x4000  }
0x44: {  	[sflag:s20] =	ssyncset.done $0x0  }
0x45: {  	s5 =	sadd.s32 $0x1800, s1;
	s3 =	simm.s32 @!p0 $0x7;
	[sflag:s20] =	ssyncadd.s32 $0xFFFFC000  }
0x46: {  	[hbm4b:s5+s4] =	stream.linear.scatter [tilespmem:s16], [sflag:$0x9], $0x4000, $0x38;
	[tilespmem:$0x1A400] =	vst v63  }
0x47: {  	_ =	swait.ge @!p0 [sflag:s3], $0x4000  }
0x48: {  	[sflag:s3] =	ssyncset.done @!p0 $0x0  }
0x49: {  	s0 =	sadd.s32 @!p0 $0x300, s0;
	[sflag:s3] =	ssyncadd.s32 @!p0 $0xFFFFC000;
	s3 =	simm.s32 @!p0 $0xA400  }
0x4a: {  	[tilespmem:s3], [sflag:$0x2] =	stream.indirect.gather @!p0 [hbm4b:s2+s13], $0x80, s0, s13, $0xb8;
	[tilespmem:$0x1A400] =	vst v63  }
.Ltmp2:
0x4b: {  	_ = 	snop;
	(pc) =	sbr.rel @p0 .LBB2_4-.Ltmp2, $4  }
0x4c: {  	_ =	swait.ge [sflag:s21], $0x4000  }
0x4d: {  	[sflag:s21] =	ssyncset.done $0x0  }
0x4e: {  	s13 =	sadd.s32 $0x2000, s1;
	[sflag:s21] =	ssyncadd.s32 $0xFFFFC000  }
0x4f: {  	[hbm4b:s13+s4] =	stream.linear.scatter [tilespmem:s18], [sflag:$0xA], $0x4000, $0x38;
	[tilespmem:$0x1A400] =	vst v63  }
.Ltmp3:
0x50: {  	(pc) =	sbr.rel .LBB2_2-.Ltmp3, $4  }
0x51: {  	_ =	swait.ge [sflag:s24], $0x4000  }
0x52: {  	s0 =	sadd.s32 $0x380, s31;
	[sflag:s24] =	ssyncset.done $0x0  }
0x53: {  	s30 =	sadd.s32 $0xA00, s30;
	s29 =	sadd.s32 $0x2800, s29;
	[sflag:s24] =	ssyncadd.s32 $0xFFFFC000  }
0x54: {  	[tilespmem:s14], [sflag:$0x3] =	stream.indirect.gather [hbm4b:s2+s10], $0x80, s0, s10, $0xb8;
	[tilespmem:$0x1A400] =	vst v63  }
.LBB2_5:
0x55: {  	_ =	sfence.sel $0x180000  }
0x56: {  	[bflag:$0x0] =	sbarrier.arrive $0xFFFF  }
0x57: {  	_ =	strace $0x90000047  }
0x58: {  	s0 =	stileid.u32;
	[bflag:$0x2] =	sbarrier.arrive $0xFFFF  }
0x59: {  	p0 =	sne.s32 s0, $0x0;
	s0 =	rddreg [dreg:$0x3]  }
0x5a: {  	s0 =	sadd.s32 @!p0 $0x100000, s0  }
0x5b: {  	[sflag:s0] =	ssyncadd.tile.s32 @!p0 $0x1;
	_ =	shalt  }
.Lfunc_end2:
_tile_overlayer_lowered:
.L_overlay_start_2:
0x5c: {  	(tag) =	ssettag $0x2  }
0x5d: {  	s0 =	rddreg [dreg:$0x0];
	s2 =	stileid.u32  }
0x5e: {  	s1 =	rddreg [dreg:$0x1];
	p0 =	sne.s32 s2, $0x0  }
0x5f: {  	s3 =	rddreg [dreg:$0x2];
	[bflag:$0x3] =	sbarrier.arrive $0xFFFF;
	s2 =	simm.s32 @!p0 $0x1C0B  }
0x60: {  	[timem:s3], [sflag:s2] =	dma.local @!p0 [hbm:s0], s1  }
0x61: {  	s0 =	simm.s32 @!p0 $0xB  }
0x62: {  	_ =	swait.ge @!p0 [sflag:s0], s1  }
0x63: {  	s1 =	ssub.s32 @!p0 $0x0, s1;
	[sflag:s0] =	ssyncset.done @!p0 $0x0  }
0x64: {  	[sflag:s0] =	ssyncadd.s32 @!p0 s1  }
0x65: {  	[bflag:$0x3] =	sbarrier.arrive $0xFFFF  }
0x66: {  	_ =	shalt  }

</sc_bundles>
